<compile_context>
chip_gen: v7x
topology: tpu7x:2x2x1
jax: 0.10.2.dev20260603
libtpu: 0.0.44.dev20260713+nightly
codegen_flags: <defaults>
</compile_context>

<pallas_src>
import functools

import jax
import jax.numpy as jnp
from jax import lax
from jax.experimental import pallas as pl
from jax.experimental.pallas import tpu as pltpu
from jax.experimental.pallas import tpu_sc as plsc

VOCAB = 1_000_000
VOCAB_PAD = 1 << 20
EMBED = 64
BATCH = 4096
SEQ = 200

NC, NS = 2, 16
NW = NC * NS
ROWS_PER_W = BATCH // NW
IDX_PER_W = ROWS_PER_W * SEQ

MV_SUB = 8192
MV_OUT_ROWS = 8
MV_QUARTERS = 4
MV_IN_COLS = MV_OUT_ROWS * MV_SUB // MV_QUARTERS
MV_GRID = VOCAB_PAD // (MV_OUT_ROWS * MV_SUB)


def _matvec_body(t_ref, w_ref, b_ref, o_ref):
    q = pl.program_id(1)
    rows_per_q = MV_OUT_ROWS // MV_QUARTERS
    for r in range(rows_per_q):
        row = q * rows_per_q + r
        o_ref[row, :] = (
            jnp.dot(
                w_ref[...],
                t_ref[:, pl.ds(r * MV_SUB, MV_SUB)],
                preferred_element_type=jnp.float32,
            )[0]
            + b_ref[0, 0]
        )


def _tw_matvec(table_t, w_row, b2):
    return pl.pallas_call(
        _matvec_body,
        grid=(MV_GRID, MV_QUARTERS),
        in_specs=[
            pl.BlockSpec(
                (EMBED, MV_IN_COLS),
                lambda i, q: (
                    0,
                    jnp.minimum(
                        i * MV_QUARTERS + q, (VOCAB - 1) // MV_IN_COLS
                    ),
                ),
            ),
            pl.BlockSpec((1, EMBED), lambda i, q: (0, 0)),
            pl.BlockSpec((1, 1), lambda i, q: (0, 0)),
        ],
        out_specs=pl.BlockSpec((MV_OUT_ROWS, MV_SUB), lambda i, q: (i, 0)),
        out_shape=jax.ShapeDtypeStruct(
            (VOCAB_PAD // MV_SUB, MV_SUB), jnp.float32
        ),
    )(table_t, w_row, b2)


_SC_MESH = plsc.VectorSubcoreMesh(core_axis_name="c", subcore_axis_name="s")


@functools.partial(
    pl.kernel,
    out_type=jax.ShapeDtypeStruct((BATCH,), jnp.float32),
    mesh=_SC_MESH,
    scratch_types=[
        pltpu.VMEM((IDX_PER_W,), jnp.int32),
        pltpu.VMEM((IDX_PER_W,), jnp.float32),
        pltpu.VMEM((ROWS_PER_W,), jnp.float32),
        pltpu.SemaphoreType.DMA,
    ],
)
def _sc_pool(xr_hbm, tw_hbm, out_hbm, idx_v, vals_v, res_v, sem):
    wid = lax.axis_index("s") * NC + lax.axis_index("c")
    pltpu.sync_copy(xr_hbm.at[pl.ds(wid * IDX_PER_W, IDX_PER_W)], idx_v)
    pltpu.async_copy(tw_hbm.at[idx_v], vals_v, sem).wait()

    ngrp = ROWS_PER_W // 16

    def seq_body(j, accs):
        base = j * ROWS_PER_W
        return tuple(
            accs[g] + vals_v[pl.ds(base + g * 16, 16)] for g in range(ngrp)
        )

    accs = lax.fori_loop(
        0, SEQ, seq_body, tuple(jnp.zeros((16,), jnp.float32) for _ in range(ngrp))
    )
    inv = jnp.float32(1.0 / SEQ)
    for g in range(ngrp):
        z = accs[g] * inv
        res_v[pl.ds(g * 16, 16)] = 1.0 / (1.0 + jnp.exp(-z))
    pltpu.sync_copy(res_v, out_hbm.at[pl.ds(wid * ROWS_PER_W, ROWS_PER_W)])


def kernel(x, table, W, b):
    table_t = table.T
    w_row = W.T
    b2 = b.reshape(1, 1)
    tw = _tw_matvec(table_t, w_row, b2).reshape(VOCAB_PAD)

    xr = (
        jnp.swapaxes(x.astype(jnp.int32).T.reshape(SEQ, NW, ROWS_PER_W), 0, 1)
        .reshape(NW * IDX_PER_W)
    )
    out = _sc_pool(xr, tw)
    return out.reshape(BATCH, 1)

# --- scband reference (transcript-rebuilt; emitter-appended) ---
"""Pipeline reference for scband-word-embedding-classifier-pretrained-31911607009313 (READ-ONLY COPY).

The authoritative reference and input builder live on the scoring server;
editing this copy changes nothing except your own understanding.
"""

import jax, jax.numpy as jnp
import numpy as np

VOCAB = 1000000
EMBED_DIM = 64
HIDDEN = 1
BATCH = 4096
SEQ = 200


def setup_inputs(seed: int = 0) -> dict:
    key = jax.random.key(seed)
    k_idx, k_tab, k_w, k_b = jax.random.split(key, 4)
    x = jax.random.randint(k_idx, (BATCH, SEQ), 0, VOCAB, dtype=jnp.int64 if jax.config.jax_enable_x64 else jnp.int32)
    table = jax.random.normal(k_tab, (VOCAB, EMBED_DIM), dtype=jnp.float32) * 0.02
    # padding_idx=0 row zeroed at Embedding init; weights_mat load overwrites, but keep convention of zero pad row
    W = jax.random.normal(k_w, (EMBED_DIM, HIDDEN), dtype=jnp.float32) * (1.0 / np.sqrt(EMBED_DIM))
    b = jnp.zeros((HIDDEN,), dtype=jnp.float32)
    return {"x": x, "table": table, "W": W, "b": b}


def reference(x, table, W, b):
    # embedding lookup (gather)
    embed = jnp.take(table, x, axis=0)            # [B, L, D]
    pooled = jnp.mean(embed, axis=1)              # [B, D]
    logits = pooled @ W + b                       # [B, 1]
    return jax.nn.sigmoid(logits)

if __name__ == "__main__":
    import jax
    _d = setup_inputs()
    print(jax.jit(kernel)(*tuple(_d.values())))

</pallas_src>

<mosaic_0001>
#map = affine_map<(d0, d1) -> (0)>
module attributes {stable_mosaic.version = 14 : i64} {
  func.func @_sc_pool(%arg0: i32, %arg1: i32, %arg2: memref<819200xi32, #tpu.memory_space<hbm>>, %arg3: memref<1048576xf32, #tpu.memory_space<hbm>>, %arg4: memref<4096xf32, #tpu.memory_space<hbm>>, %arg5: memref<25600xi32, #tpu.memory_space<vmem>>, %arg6: memref<25600xf32, #tpu.memory_space<vmem>>, %arg7: memref<128xf32, #tpu.memory_space<vmem>>, %arg8: memref<!tpu.dma_semaphore, #tpu.memory_space<semaphore_mem>>) attributes {dimension_semantics = [#tpu.dimension_semantics<core_parallel>, #tpu.dimension_semantics<subcore_parallel>], iteration_bounds = array<i64: 2, 16>, scalar_prefetch = 0 : i64, scratch_operands = 4 : i64, tpu.core_type = #tpu.core_type<sc_vector_subcore>, window_params = [{transform_indices = #map}, {transform_indices = #map}, {transform_indices = #map}]} {
    %mul3A = arith.constant 2 : i32
    %mul3A_0 = arith.muli %arg1, %mul3A : i32
    %add3A = arith.addi %mul3A_0, %arg0 : i32
    %mul3A_1 = arith.constant 25600 : i32
    %mul3A_2 = arith.muli %add3A, %mul3A_1 : i32
    "tpu.region"() ({
      %run_scoped3A = tpu.sem_alloc : memref<!tpu.dma_semaphore, #tpu.memory_space<semaphore_mem>>
      %dma_start3A_159 = tpu.memref_slice %arg2[%mul3A_2] : memref<819200xi32, #tpu.memory_space<hbm>> -> memref<25600xi32, #tpu.memory_space<hbm>>
      %dma_start3A_160 = tpu.memref_slice %arg2[%mul3A_2] : memref<819200xi32, #tpu.memory_space<hbm>> -> memref<25600xi32, #tpu.memory_space<hbm>>
      tpu.enqueue_dma source(%dma_start3A_160 : memref<25600xi32, #tpu.memory_space<hbm>>) target(%arg5 : memref<25600xi32, #tpu.memory_space<vmem>>) target_semaphore(%run_scoped3A : memref<!tpu.dma_semaphore, #tpu.memory_space<semaphore_mem>>)
      %dma_wait3A_161 = tpu.memref_slice %arg2[%mul3A_2] : memref<819200xi32, #tpu.memory_space<hbm>> -> memref<25600xi32, #tpu.memory_space<hbm>>
      %dma_wait3A_162 = tpu.memref_slice %arg2[%mul3A_2] : memref<819200xi32, #tpu.memory_space<hbm>> -> memref<25600xi32, #tpu.memory_space<hbm>>
      tpu.wait_dma2 semaphore(%run_scoped3A : memref<!tpu.dma_semaphore, #tpu.memory_space<semaphore_mem>>) src(%dma_wait3A_162 : memref<25600xi32, #tpu.memory_space<hbm>>) dst(%arg5 : memref<25600xi32, #tpu.memory_space<vmem>>)
      tpu.yield
    }) : () -> ()
    %dma_start3A = arith.constant 0 : i32
    %dma_start3A_3 = tpu.memref_slice %arg3[%dma_start3A] : memref<1048576xf32, #tpu.memory_space<hbm>> -> memref<1048576xf32, #tpu.memory_space<hbm>>
    tpu.enqueue_indirect_dma source(%dma_start3A_3 : memref<1048576xf32, #tpu.memory_space<hbm>>) target(%arg6 : memref<25600xf32, #tpu.memory_space<vmem>>) offsets(%arg5 : memref<25600xi32, #tpu.memory_space<vmem>>) semaphore(%arg8 : memref<!tpu.dma_semaphore, #tpu.memory_space<semaphore_mem>>)
    %dma_wait3A = arith.constant 0 : i32
    %dma_wait3A_4 = tpu.memref_slice %arg3[%dma_wait3A] : memref<1048576xf32, #tpu.memory_space<hbm>> -> memref<1048576xf32, #tpu.memory_space<hbm>>
    tpu.wait_indirect_dma semaphore(%arg8 : memref<!tpu.dma_semaphore, #tpu.memory_space<semaphore_mem>>) src(%dma_wait3A_4 : memref<1048576xf32, #tpu.memory_space<hbm>>) dst(%arg6 : memref<25600xf32, #tpu.memory_space<vmem>>)
    %broadcast_in_dim3A = arith.constant 0.000000e+00 : f32
    %broadcast_in_dim3A_5 = vector.broadcast %broadcast_in_dim3A : f32 to vector<16xf32>
    %broadcast_in_dim3A_6 = arith.constant 0.000000e+00 : f32
    %broadcast_in_dim3A_7 = vector.broadcast %broadcast_in_dim3A_6 : f32 to vector<16xf32>
    %broadcast_in_dim3A_8 = arith.constant 0.000000e+00 : f32
    %broadcast_in_dim3A_9 = vector.broadcast %broadcast_in_dim3A_8 : f32 to vector<16xf32>
    %broadcast_in_dim3A_10 = arith.constant 0.000000e+00 : f32
    %broadcast_in_dim3A_11 = vector.broadcast %broadcast_in_dim3A_10 : f32 to vector<16xf32>
    %broadcast_in_dim3A_12 = arith.constant 0.000000e+00 : f32
    %broadcast_in_dim3A_13 = vector.broadcast %broadcast_in_dim3A_12 : f32 to vector<16xf32>
    %broadcast_in_dim3A_14 = arith.constant 0.000000e+00 : f32
    %broadcast_in_dim3A_15 = vector.broadcast %broadcast_in_dim3A_14 : f32 to vector<16xf32>
    %broadcast_in_dim3A_16 = arith.constant 0.000000e+00 : f32
    %broadcast_in_dim3A_17 = vector.broadcast %broadcast_in_dim3A_16 : f32 to vector<16xf32>
    %broadcast_in_dim3A_18 = arith.constant 0.000000e+00 : f32
    %broadcast_in_dim3A_19 = vector.broadcast %broadcast_in_dim3A_18 : f32 to vector<16xf32>
    %scan3A = arith.constant 0 : i32
    %scan3A_20 = arith.constant 200 : i32
    %scan3A_21 = arith.addi %scan3A, %scan3A_20 : i32
    %scan3A_22 = arith.constant 1 : i32
    %scan3A_23:8 = scf.for %scan3A_159 = %scan3A to %scan3A_21 step %scan3A_22 iter_args(%scan3A_160 = %broadcast_in_dim3A_5, %scan3A_161 = %broadcast_in_dim3A_7, %scan3A_162 = %broadcast_in_dim3A_9, %scan3A_163 = %broadcast_in_dim3A_11, %scan3A_164 = %broadcast_in_dim3A_13, %scan3A_165 = %broadcast_in_dim3A_15, %scan3A_166 = %broadcast_in_dim3A_17, %scan3A_167 = %broadcast_in_dim3A_19) -> (vector<16xf32>, vector<16xf32>, vector<16xf32>, vector<16xf32>, vector<16xf32>, vector<16xf32>, vector<16xf32>, vector<16xf32>)  : i32 {
      %mul3A_168 = arith.constant 128 : i32
      %mul3A_169 = arith.muli %scan3A_159, %mul3A_168 : i32
      %add3A_170 = arith.constant 0 : i32
      %add3A_171 = arith.addi %mul3A_169, %add3A_170 : i32
      %get3A = arith.index_cast %add3A_171 : i32 to index
      %get3A_172 = tpu.vector_load %arg6[%get3A] {strides = array<i32>} : memref<25600xf32, #tpu.memory_space<vmem>>, vector<16xf32>,
      %get3A_173 = vector.shape_cast %get3A_172 : vector<16xf32> to vector<16xf32>
      %add3A_174 = arith.addf %scan3A_160, %get3A_173 : vector<16xf32>
      %add3A_175 = arith.constant 16 : i32
      %add3A_176 = arith.addi %mul3A_169, %add3A_175 : i32
      %get3A_177 = arith.index_cast %add3A_176 : i32 to index
      %get3A_178 = tpu.vector_load %arg6[%get3A_177] {strides = array<i32>} : memref<25600xf32, #tpu.memory_space<vmem>>, vector<16xf32>,
      %get3A_179 = vector.shape_cast %get3A_178 : vector<16xf32> to vector<16xf32>
      %add3A_180 = arith.addf %scan3A_161, %get3A_179 : vector<16xf32>
      %add3A_181 = arith.constant 32 : i32
      %add3A_182 = arith.addi %mul3A_169, %add3A_181 : i32
      %get3A_183 = arith.index_cast %add3A_182 : i32 to index
      %get3A_184 = tpu.vector_load %arg6[%get3A_183] {strides = array<i32>} : memref<25600xf32, #tpu.memory_space<vmem>>, vector<16xf32>,
      %get3A_185 = vector.shape_cast %get3A_184 : vector<16xf32> to vector<16xf32>
      %add3A_186 = arith.addf %scan3A_162, %get3A_185 : vector<16xf32>
      %add3A_187 = arith.constant 48 : i32
      %add3A_188 = arith.addi %mul3A_169, %add3A_187 : i32
      %get3A_189 = arith.index_cast %add3A_188 : i32 to index
      %get3A_190 = tpu.vector_load %arg6[%get3A_189] {strides = array<i32>} : memref<25600xf32, #tpu.memory_space<vmem>>, vector<16xf32>,
      %get3A_191 = vector.shape_cast %get3A_190 : vector<16xf32> to vector<16xf32>
      %add3A_192 = arith.addf %scan3A_163, %get3A_191 : vector<16xf32>
      %add3A_193 = arith.constant 64 : i32
      %add3A_194 = arith.addi %mul3A_169, %add3A_193 : i32
      %get3A_195 = arith.index_cast %add3A_194 : i32 to index
      %get3A_196 = tpu.vector_load %arg6[%get3A_195] {strides = array<i32>} : memref<25600xf32, #tpu.memory_space<vmem>>, vector<16xf32>,
      %get3A_197 = vector.shape_cast %get3A_196 : vector<16xf32> to vector<16xf32>
      %add3A_198 = arith.addf %scan3A_164, %get3A_197 : vector<16xf32>
      %add3A_199 = arith.constant 80 : i32
      %add3A_200 = arith.addi %mul3A_169, %add3A_199 : i32
      %get3A_201 = arith.index_cast %add3A_200 : i32 to index
      %get3A_202 = tpu.vector_load %arg6[%get3A_201] {strides = array<i32>} : memref<25600xf32, #tpu.memory_space<vmem>>, vector<16xf32>,
      %get3A_203 = vector.shape_cast %get3A_202 : vector<16xf32> to vector<16xf32>
      %add3A_204 = arith.addf %scan3A_165, %get3A_203 : vector<16xf32>
      %add3A_205 = arith.constant 96 : i32
      %add3A_206 = arith.addi %mul3A_169, %add3A_205 : i32
      %get3A_207 = arith.index_cast %add3A_206 : i32 to index
      %get3A_208 = tpu.vector_load %arg6[%get3A_207] {strides = array<i32>} : memref<25600xf32, #tpu.memory_space<vmem>>, vector<16xf32>,
      %get3A_209 = vector.shape_cast %get3A_208 : vector<16xf32> to vector<16xf32>
      %add3A_210 = arith.addf %scan3A_166, %get3A_209 : vector<16xf32>
      %add3A_211 = arith.constant 112 : i32
      %add3A_212 = arith.addi %mul3A_169, %add3A_211 : i32
      %get3A_213 = arith.index_cast %add3A_212 : i32 to index
      %get3A_214 = tpu.vector_load %arg6[%get3A_213] {strides = array<i32>} : memref<25600xf32, #tpu.memory_space<vmem>>, vector<16xf32>,
      %get3A_215 = vector.shape_cast %get3A_214 : vector<16xf32> to vector<16xf32>
      %add3A_216 = arith.addf %scan3A_167, %get3A_215 : vector<16xf32>
      scf.yield %add3A_174, %add3A_180, %add3A_186, %add3A_192, %add3A_198, %add3A_204, %add3A_210, %add3A_216 : vector<16xf32>, vector<16xf32>, vector<16xf32>, vector<16xf32>, vector<16xf32>, vector<16xf32>, vector<16xf32>, vector<16xf32>
    }
    %scan3A_24 = arith.constant 200 : i32
    %mul3A_25 = arith.constant 5.000000e-03 : f32
    %mul3A_26 = vector.broadcast %mul3A_25 : f32 to vector<16xf32>
    %mul3A_27 = arith.mulf %scan3A_23#0, %mul3A_26 : vector<16xf32>
    %neg3A = arith.constant 0.000000e+00 : f32
    %neg3A_28 = vector.broadcast %neg3A : f32 to vector<16xf32>
    %neg3A_29 = arith.subf %neg3A_28, %mul3A_27 : vector<16xf32>
    %exp3A = math.exp %neg3A_29 : vector<16xf32>
    %add3A_30 = arith.constant 1.000000e+00 : f32
    %add3A_31 = vector.broadcast %add3A_30 : f32 to vector<16xf32>
    %add3A_32 = arith.addf %add3A_31, %exp3A : vector<16xf32>
    %div3A = arith.constant 1.000000e+00 : f32
    %div3A_33 = vector.broadcast %div3A : f32 to vector<16xf32>
    %div3A_34 = arith.divf %div3A_33, %add3A_32 : vector<16xf32>
    %swap3A = arith.constant 0 : index
    %swap3A_35 = tpu.vector_load %arg7[%swap3A] {strides = array<i32>} : memref<128xf32, #tpu.memory_space<vmem>>, vector<16xf32>,
    %swap3A_36 = vector.shape_cast %swap3A_35 : vector<16xf32> to vector<16xf32>
    %swap3A_37 = vector.shape_cast %div3A_34 : vector<16xf32> to vector<16xf32>
    tpu.vector_store %arg7[%swap3A], %swap3A_37 {strides = array<i32>} : memref<128xf32, #tpu.memory_space<vmem>>, vector<16xf32>,
    %mul3A_38 = arith.constant 5.000000e-03 : f32
    %mul3A_39 = vector.broadcast %mul3A_38 : f32 to vector<16xf32>
    %mul3A_40 = arith.mulf %scan3A_23#1, %mul3A_39 : vector<16xf32>
    %neg3A_41 = arith.constant 0.000000e+00 : f32
    %neg3A_42 = vector.broadcast %neg3A_41 : f32 to vector<16xf32>
    %neg3A_43 = arith.subf %neg3A_42, %mul3A_40 : vector<16xf32>
    %exp3A_44 = math.exp %neg3A_43 : vector<16xf32>
    %add3A_45 = arith.constant 1.000000e+00 : f32
    %add3A_46 = vector.broadcast %add3A_45 : f32 to vector<16xf32>
    %add3A_47 = arith.addf %add3A_46, %exp3A_44 : vector<16xf32>
    %div3A_48 = arith.constant 1.000000e+00 : f32
    %div3A_49 = vector.broadcast %div3A_48 : f32 to vector<16xf32>
    %div3A_50 = arith.divf %div3A_49, %add3A_47 : vector<16xf32>
    %swap3A_51 = arith.constant 16 : index
    %swap3A_52 = tpu.vector_load %arg7[%swap3A_51] {strides = array<i32>} : memref<128xf32, #tpu.memory_space<vmem>>, vector<16xf32>,
    %swap3A_53 = vector.shape_cast %swap3A_52 : vector<16xf32> to vector<16xf32>
    %swap3A_54 = vector.shape_cast %div3A_50 : vector<16xf32> to vector<16xf32>
    tpu.vector_store %arg7[%swap3A_51], %swap3A_54 {strides = array<i32>} : memref<128xf32, #tpu.memory_space<vmem>>, vector<16xf32>,
    %mul3A_55 = arith.constant 5.000000e-03 : f32
    %mul3A_56 = vector.broadcast %mul3A_55 : f32 to vector<16xf32>
    %mul3A_57 = arith.mulf %scan3A_23#2, %mul3A_56 : vector<16xf32>
    %neg3A_58 = arith.constant 0.000000e+00 : f32
    %neg3A_59 = vector.broadcast %neg3A_58 : f32 to vector<16xf32>
    %neg3A_60 = arith.subf %neg3A_59, %mul3A_57 : vector<16xf32>
    %exp3A_61 = math.exp %neg3A_60 : vector<16xf32>
    %add3A_62 = arith.constant 1.000000e+00 : f32
    %add3A_63 = vector.broadcast %add3A_62 : f32 to vector<16xf32>
    %add3A_64 = arith.addf %add3A_63, %exp3A_61 : vector<16xf32>
    %div3A_65 = arith.constant 1.000000e+00 : f32
    %div3A_66 = vector.broadcast %div3A_65 : f32 to vector<16xf32>
    %div3A_67 = arith.divf %div3A_66, %add3A_64 : vector<16xf32>
    %swap3A_68 = arith.constant 32 : index
    %swap3A_69 = tpu.vector_load %arg7[%swap3A_68] {strides = array<i32>} : memref<128xf32, #tpu.memory_space<vmem>>, vector<16xf32>,
    %swap3A_70 = vector.shape_cast %swap3A_69 : vector<16xf32> to vector<16xf32>
    %swap3A_71 = vector.shape_cast %div3A_67 : vector<16xf32> to vector<16xf32>
    tpu.vector_store %arg7[%swap3A_68], %swap3A_71 {strides = array<i32>} : memref<128xf32, #tpu.memory_space<vmem>>, vector<16xf32>,
    %mul3A_72 = arith.constant 5.000000e-03 : f32
    %mul3A_73 = vector.broadcast %mul3A_72 : f32 to vector<16xf32>
    %mul3A_74 = arith.mulf %scan3A_23#3, %mul3A_73 : vector<16xf32>
    %neg3A_75 = arith.constant 0.000000e+00 : f32
    %neg3A_76 = vector.broadcast %neg3A_75 : f32 to vector<16xf32>
    %neg3A_77 = arith.subf %neg3A_76, %mul3A_74 : vector<16xf32>
    %exp3A_78 = math.exp %neg3A_77 : vector<16xf32>
    %add3A_79 = arith.constant 1.000000e+00 : f32
    %add3A_80 = vector.broadcast %add3A_79 : f32 to vector<16xf32>
    %add3A_81 = arith.addf %add3A_80, %exp3A_78 : vector<16xf32>
    %div3A_82 = arith.constant 1.000000e+00 : f32
    %div3A_83 = vector.broadcast %div3A_82 : f32 to vector<16xf32>
    %div3A_84 = arith.divf %div3A_83, %add3A_81 : vector<16xf32>
    %swap3A_85 = arith.constant 48 : index
    %swap3A_86 = tpu.vector_load %arg7[%swap3A_85] {strides = array<i32>} : memref<128xf32, #tpu.memory_space<vmem>>, vector<16xf32>,
    %swap3A_87 = vector.shape_cast %swap3A_86 : vector<16xf32> to vector<16xf32>
    %swap3A_88 = vector.shape_cast %div3A_84 : vector<16xf32> to vector<16xf32>
    tpu.vector_store %arg7[%swap3A_85], %swap3A_88 {strides = array<i32>} : memref<128xf32, #tpu.memory_space<vmem>>, vector<16xf32>,
    %mul3A_89 = arith.constant 5.000000e-03 : f32
    %mul3A_90 = vector.broadcast %mul3A_89 : f32 to vector<16xf32>
    %mul3A_91 = arith.mulf %scan3A_23#4, %mul3A_90 : vector<16xf32>
    %neg3A_92 = arith.constant 0.000000e+00 : f32
    %neg3A_93 = vector.broadcast %neg3A_92 : f32 to vector<16xf32>
    %neg3A_94 = arith.subf %neg3A_93, %mul3A_91 : vector<16xf32>
    %exp3A_95 = math.exp %neg3A_94 : vector<16xf32>
    %add3A_96 = arith.constant 1.000000e+00 : f32
    %add3A_97 = vector.broadcast %add3A_96 : f32 to vector<16xf32>
    %add3A_98 = arith.addf %add3A_97, %exp3A_95 : vector<16xf32>
    %div3A_99 = arith.constant 1.000000e+00 : f32
    %div3A_100 = vector.broadcast %div3A_99 : f32 to vector<16xf32>
    %div3A_101 = arith.divf %div3A_100, %add3A_98 : vector<16xf32>
    %swap3A_102 = arith.constant 64 : index
    %swap3A_103 = tpu.vector_load %arg7[%swap3A_102] {strides = array<i32>} : memref<128xf32, #tpu.memory_space<vmem>>, vector<16xf32>,
    %swap3A_104 = vector.shape_cast %swap3A_103 : vector<16xf32> to vector<16xf32>
    %swap3A_105 = vector.shape_cast %div3A_101 : vector<16xf32> to vector<16xf32>
    tpu.vector_store %arg7[%swap3A_102], %swap3A_105 {strides = array<i32>} : memref<128xf32, #tpu.memory_space<vmem>>, vector<16xf32>,
    %mul3A_106 = arith.constant 5.000000e-03 : f32
    %mul3A_107 = vector.broadcast %mul3A_106 : f32 to vector<16xf32>
    %mul3A_108 = arith.mulf %scan3A_23#5, %mul3A_107 : vector<16xf32>
    %neg3A_109 = arith.constant 0.000000e+00 : f32
    %neg3A_110 = vector.broadcast %neg3A_109 : f32 to vector<16xf32>
    %neg3A_111 = arith.subf %neg3A_110, %mul3A_108 : vector<16xf32>
    %exp3A_112 = math.exp %neg3A_111 : vector<16xf32>
    %add3A_113 = arith.constant 1.000000e+00 : f32
    %add3A_114 = vector.broadcast %add3A_113 : f32 to vector<16xf32>
    %add3A_115 = arith.addf %add3A_114, %exp3A_112 : vector<16xf32>
    %div3A_116 = arith.constant 1.000000e+00 : f32
    %div3A_117 = vector.broadcast %div3A_116 : f32 to vector<16xf32>
    %div3A_118 = arith.divf %div3A_117, %add3A_115 : vector<16xf32>
    %swap3A_119 = arith.constant 80 : index
    %swap3A_120 = tpu.vector_load %arg7[%swap3A_119] {strides = array<i32>} : memref<128xf32, #tpu.memory_space<vmem>>, vector<16xf32>,
    %swap3A_121 = vector.shape_cast %swap3A_120 : vector<16xf32> to vector<16xf32>
    %swap3A_122 = vector.shape_cast %div3A_118 : vector<16xf32> to vector<16xf32>
    tpu.vector_store %arg7[%swap3A_119], %swap3A_122 {strides = array<i32>} : memref<128xf32, #tpu.memory_space<vmem>>, vector<16xf32>,
    %mul3A_123 = arith.constant 5.000000e-03 : f32
    %mul3A_124 = vector.broadcast %mul3A_123 : f32 to vector<16xf32>
    %mul3A_125 = arith.mulf %scan3A_23#6, %mul3A_124 : vector<16xf32>
    %neg3A_126 = arith.constant 0.000000e+00 : f32
    %neg3A_127 = vector.broadcast %neg3A_126 : f32 to vector<16xf32>
    %neg3A_128 = arith.subf %neg3A_127, %mul3A_125 : vector<16xf32>
    %exp3A_129 = math.exp %neg3A_128 : vector<16xf32>
    %add3A_130 = arith.constant 1.000000e+00 : f32
    %add3A_131 = vector.broadcast %add3A_130 : f32 to vector<16xf32>
    %add3A_132 = arith.addf %add3A_131, %exp3A_129 : vector<16xf32>
    %div3A_133 = arith.constant 1.000000e+00 : f32
    %div3A_134 = vector.broadcast %div3A_133 : f32 to vector<16xf32>
    %div3A_135 = arith.divf %div3A_134, %add3A_132 : vector<16xf32>
    %swap3A_136 = arith.constant 96 : index
    %swap3A_137 = tpu.vector_load %arg7[%swap3A_136] {strides = array<i32>} : memref<128xf32, #tpu.memory_space<vmem>>, vector<16xf32>,
    %swap3A_138 = vector.shape_cast %swap3A_137 : vector<16xf32> to vector<16xf32>
    %swap3A_139 = vector.shape_cast %div3A_135 : vector<16xf32> to vector<16xf32>
    tpu.vector_store %arg7[%swap3A_136], %swap3A_139 {strides = array<i32>} : memref<128xf32, #tpu.memory_space<vmem>>, vector<16xf32>,
    %mul3A_140 = arith.constant 5.000000e-03 : f32
    %mul3A_141 = vector.broadcast %mul3A_140 : f32 to vector<16xf32>
    %mul3A_142 = arith.mulf %scan3A_23#7, %mul3A_141 : vector<16xf32>
    %neg3A_143 = arith.constant 0.000000e+00 : f32
    %neg3A_144 = vector.broadcast %neg3A_143 : f32 to vector<16xf32>
    %neg3A_145 = arith.subf %neg3A_144, %mul3A_142 : vector<16xf32>
    %exp3A_146 = math.exp %neg3A_145 : vector<16xf32>
    %add3A_147 = arith.constant 1.000000e+00 : f32
    %add3A_148 = vector.broadcast %add3A_147 : f32 to vector<16xf32>
    %add3A_149 = arith.addf %add3A_148, %exp3A_146 : vector<16xf32>
    %div3A_150 = arith.constant 1.000000e+00 : f32
    %div3A_151 = vector.broadcast %div3A_150 : f32 to vector<16xf32>
    %div3A_152 = arith.divf %div3A_151, %add3A_149 : vector<16xf32>
    %swap3A_153 = arith.constant 112 : index
    %swap3A_154 = tpu.vector_load %arg7[%swap3A_153] {strides = array<i32>} : memref<128xf32, #tpu.memory_space<vmem>>, vector<16xf32>,
    %swap3A_155 = vector.shape_cast %swap3A_154 : vector<16xf32> to vector<16xf32>
    %swap3A_156 = vector.shape_cast %div3A_152 : vector<16xf32> to vector<16xf32>
    tpu.vector_store %arg7[%swap3A_153], %swap3A_156 {strides = array<i32>} : memref<128xf32, #tpu.memory_space<vmem>>, vector<16xf32>,
    %mul3A_157 = arith.constant 128 : i32
    %mul3A_158 = arith.muli %add3A, %mul3A_157 : i32
    "tpu.region"() ({
      %run_scoped3A = tpu.sem_alloc : memref<!tpu.dma_semaphore, #tpu.memory_space<semaphore_mem>>
      %dma_start3A_159 = tpu.memref_slice %arg4[%mul3A_158] : memref<4096xf32, #tpu.memory_space<hbm>> -> memref<128xf32, #tpu.memory_space<hbm>>
      %dma_start3A_160 = tpu.memref_slice %arg4[%mul3A_158] : memref<4096xf32, #tpu.memory_space<hbm>> -> memref<128xf32, #tpu.memory_space<hbm>>
      tpu.enqueue_dma source(%arg7 : memref<128xf32, #tpu.memory_space<vmem>>) target(%dma_start3A_160 : memref<128xf32, #tpu.memory_space<hbm>>) target_semaphore(%run_scoped3A : memref<!tpu.dma_semaphore, #tpu.memory_space<semaphore_mem>>)
      %dma_wait3A_161 = tpu.memref_slice %arg4[%mul3A_158] : memref<4096xf32, #tpu.memory_space<hbm>> -> memref<128xf32, #tpu.memory_space<hbm>>
      %dma_wait3A_162 = tpu.memref_slice %arg4[%mul3A_158] : memref<4096xf32, #tpu.memory_space<hbm>> -> memref<128xf32, #tpu.memory_space<hbm>>
      tpu.wait_dma2 semaphore(%run_scoped3A : memref<!tpu.dma_semaphore, #tpu.memory_space<semaphore_mem>>) src(%arg7 : memref<128xf32, #tpu.memory_space<vmem>>) dst(%dma_wait3A_162 : memref<128xf32, #tpu.memory_space<hbm>>)
      tpu.yield
    }) : () -> ()
    return
  }
}

module attributes {stable_mosaic.version = 14 : i64} {
  func.func @_matvec_body(%arg0: i32, %arg1: i32, %arg2: memref<64x16384xf32, #tpu.memory_space<vmem>>, %arg3: memref<1x64xf32, #tpu.memory_space<vmem>>, %arg4: memref<1x1xf32, #tpu.memory_space<vmem>>, %arg5: memref<8x8192xf32, #tpu.memory_space<vmem>>) attributes {dimension_semantics = [#tpu.dimension_semantics<arbitrary>, #tpu.dimension_semantics<arbitrary>], iteration_bounds = array<i64: 16, 4>, scalar_prefetch = 0 : i64, scratch_operands = 0 : i64, tpu.core_type = #tpu.core_type<tc>, window_params = [{transform_indices = @transform_0, window_bounds = array<i64: 64, 16384>}, {pipeline_mode = #tpu.pipeline_mode<synchronous>, transform_indices = @transform_1, window_bounds = array<i64: 1, 64>}, {pipeline_mode = #tpu.pipeline_mode<synchronous>, transform_indices = @transform_2, window_bounds = array<i64: 1, 1>}, {transform_indices = @transform_3, window_bounds = array<i64: 8, 8192>}]} {
    %mul3A = arith.constant 2 : i32
    %mul3A_0 = arith.muli %arg1, %mul3A : i32
    %add3A = arith.constant 0 : i32
    %add3A_1 = arith.addi %mul3A_0, %add3A : i32
    %get3A = arith.constant 0 : index
    %get3A_2 = arith.constant 0 : index
    %get3A_3 = vector.load %arg3[%get3A, %get3A_2] : memref<1x64xf32, #tpu.memory_space<vmem>>, vector<1x64xf32>
    %get3A_4 = arith.constant 0 : index
    %get3A_5 = arith.constant 0 : index
    %get3A_6 = vector.load %arg2[%get3A_4, %get3A_5] : memref<64x16384xf32, #tpu.memory_space<vmem>>, vector<64x8192xf32>
    %dot_general3A = arith.constant dense<0.000000e+00> : vector<1x8192xf32>
    %dot_general3A_7 = tpu.matmul %get3A_3, %get3A_6, %dot_general3A {dimension_numbers = #tpu.dot_dimension_numbers<[1], [0], [0], [1], [0, 0, 1, 1], [], []>, transpose_lhs_hint = false} : vector<1x64xf32>, vector<64x8192xf32>, vector<1x8192xf32> -> vector<1x8192xf32>
    %squeeze3A = vector.shape_cast %dot_general3A_7 : vector<1x8192xf32> to vector<8192xf32>
    %get3A_8 = arith.constant 0 : index
    %get3A_9 = arith.constant 0 : index
    %get3A_10 = vector.load %arg4[%get3A_8, %get3A_9] : memref<1x1xf32, #tpu.memory_space<vmem>>, vector<1x1xf32>
    %get3A_11 = vector.extract %get3A_10[0, 0] : f32 from vector<1x1xf32>
    %add3A_12 = vector.broadcast %get3A_11 : f32 to vector<8192xf32>
    %add3A_13 = arith.addf %squeeze3A, %add3A_12 : vector<8192xf32>
    %swap3A = arith.index_cast %add3A_1 : i32 to index
    %swap3A_14 = arith.constant 0 : index
    %swap3A_15 = vector.load %arg5[%swap3A, %swap3A_14] : memref<8x8192xf32, #tpu.memory_space<vmem>>, vector<1x8192xf32>
    %swap3A_16 = vector.shape_cast %swap3A_15 : vector<1x8192xf32> to vector<8192xf32>
    %swap3A_17 = vector.shape_cast %add3A_13 : vector<8192xf32> to vector<1x8192xf32>
    tpu.vector_store %arg5[%swap3A, %swap3A_14], %swap3A_17 {strides = array<i32>} : memref<8x8192xf32, #tpu.memory_space<vmem>>, vector<1x8192xf32>,
    %mul3A_18 = arith.constant 2 : i32
    %mul3A_19 = arith.muli %arg1, %mul3A_18 : i32
    %add3A_20 = arith.constant 1 : i32
    %add3A_21 = arith.addi %mul3A_19, %add3A_20 : i32
    %get3A_22 = arith.constant 0 : index
    %get3A_23 = arith.constant 0 : index
    %get3A_24 = vector.load %arg3[%get3A_22, %get3A_23] : memref<1x64xf32, #tpu.memory_space<vmem>>, vector<1x64xf32>
    %get3A_25 = arith.constant 0 : index
    %get3A_26 = arith.constant 8192 : index
    %get3A_27 = vector.load %arg2[%get3A_25, %get3A_26] : memref<64x16384xf32, #tpu.memory_space<vmem>>, vector<64x8192xf32>
    %dot_general3A_28 = arith.constant dense<0.000000e+00> : vector<1x8192xf32>
    %dot_general3A_29 = tpu.matmul %get3A_24, %get3A_27, %dot_general3A_28 {dimension_numbers = #tpu.dot_dimension_numbers<[1], [0], [0], [1], [0, 0, 1, 1], [], []>, transpose_lhs_hint = false} : vector<1x64xf32>, vector<64x8192xf32>, vector<1x8192xf32> -> vector<1x8192xf32>
    %squeeze3A_30 = vector.shape_cast %dot_general3A_29 : vector<1x8192xf32> to vector<8192xf32>
    %get3A_31 = arith.constant 0 : index
    %get3A_32 = arith.constant 0 : index
    %get3A_33 = vector.load %arg4[%get3A_31, %get3A_32] : memref<1x1xf32, #tpu.memory_space<vmem>>, vector<1x1xf32>
    %get3A_34 = vector.extract %get3A_33[0, 0] : f32 from vector<1x1xf32>
    %add3A_35 = vector.broadcast %get3A_34 : f32 to vector<8192xf32>
    %add3A_36 = arith.addf %squeeze3A_30, %add3A_35 : vector<8192xf32>
    %swap3A_37 = arith.index_cast %add3A_21 : i32 to index
    %swap3A_38 = arith.constant 0 : index
    %swap3A_39 = vector.load %arg5[%swap3A_37, %swap3A_38] : memref<8x8192xf32, #tpu.memory_space<vmem>>, vector<1x8192xf32>
    %swap3A_40 = vector.shape_cast %swap3A_39 : vector<1x8192xf32> to vector<8192xf32>
    %swap3A_41 = vector.shape_cast %add3A_36 : vector<8192xf32> to vector<1x8192xf32>
    tpu.vector_store %arg5[%swap3A_37, %swap3A_38], %swap3A_41 {strides = array<i32>} : memref<8x8192xf32, #tpu.memory_space<vmem>>, vector<1x8192xf32>,
    return
  }
  func.func @transform_0(%arg0: i32, %arg1: i32) -> (i32, i32) {
    %mul3A = arith.constant 4 : i32
    %mul3A_0 = arith.muli %arg0, %mul3A : i32
    %add3A = arith.addi %mul3A_0, %arg1 : i32
    %min3A = arith.constant 61 : i32
    %min3A_1 = arith.minsi %add3A, %min3A : i32
    %c0_i32 = arith.constant 0 : i32
    %c0_i32_2 = arith.constant 0 : i32
    return %c0_i32, %min3A_1 : i32, i32
  }
  func.func @transform_1(%arg0: i32, %arg1: i32) -> (i32, i32) {
    %c0_i32 = arith.constant 0 : i32
    %c0_i32_0 = arith.constant 0 : i32
    %c0_i32_1 = arith.constant 0 : i32
    return %c0_i32, %c0_i32_0 : i32, i32
  }
  func.func @transform_2(%arg0: i32, %arg1: i32) -> (i32, i32) {
    %c0_i32 = arith.constant 0 : i32
    %c0_i32_0 = arith.constant 0 : i32
    %c0_i32_1 = arith.constant 0 : i32
    return %c0_i32, %c0_i32_0 : i32, i32
  }
  func.func @transform_3(%arg0: i32, %arg1: i32) -> (i32, i32) {
    %c0_i32 = arith.constant 0 : i32
    %c0_i32_0 = arith.constant 0 : i32
    return %arg0, %c0_i32 : i32, i32
  }
}

</mosaic_0001>

<sc_bundles>
// kernel: kernel.4.cloned.1.call-start
scs
__scs_entry_jumppad:
0x0: {  	(pc) =	sbr.rel $0x88, $3  }
0x1: {  	(tag) =	ssettag $0x0;
	lr =	simm.s32 $0x1  }
0x2: {  	[smem:$0x3F9D] =	sst lr;
	_ =	strace $0xD0000000  }
0x3: {  	_ = 	snop  }
0x4: {  	_ = 	snop  }
0x5: {  	_ = 	snop  }
0x6: {  	_ = 	snop  }
0x7: {  	_ = 	snop  }
__scs_overlays_trampoline_lowered:
0x8: {  	[smem:$0x3FAC] =	sst s0  }
0x9: {  	[smem:$0x3FAD] =	sst s1  }
0xa: {  	[smem:$0x3FAE] =	sst s2  }
0xb: {  	[smem:$0x3FAF] =	sst s3  }
0xc: {  	[smem:$0x3FB0] =	sst s4  }
0xd: {  	[smem:$0x3FB1] =	sst s5  }
0xe: {  	[smem:$0x3FB2] =	sst s6  }
0xf: {  	[smem:$0x3FB3] =	sst s7  }
0x10: {  	[smem:$0x3FB4] =	sst s8  }
0x11: {  	[smem:$0x3FB5] =	sst s9;
	s0 =	simm.s32 @!p0 $0x0  }
0x12: {  	s1 =	sld [smem:$0x3F9B];
	s0 =	simm.s32 @p0 $0x1  }
0x13: {  	[smem:$0x3FB6] =	sst s0;
	s0 =	simm.s32 @!p1 $0x0  }
0x14: {  	s2 =	sld [smem:$0x3F9A];
	s0 =	simm.s32 @p1 $0x1  }
0x15: {  	[smem:$0x3FB7] =	sst s0;
	s0 =	simm.s32 @!p2 $0x0  }
0x16: {  	s3 =	sld [smem:$0x3FDB];
	s0 =	simm.s32 @p2 $0x1  }
0x17: {  	s4 =	simm.s32 $0x1BF5;
	[smem:$0x3FB9] =	sst s0  }
0x18: {  	s0 =	sld [smem:$0x3F9C];
	_ =	swait.ge [sflag:s4], $0x0  }
0x19: {  	s7 =	sld [smem:$0x3F9D]  }
0x1a: {  	s8 =	sadd.s32 $0xFFFFE003, lr  }
0x1b: {  	s9 =	sadd.s32 $0xFFFFFEF7, lr;
	s5 =	simm.s32 $0xFFFFFFFF;
	p2 =	slt.u32 s8, $0xFFFFF086  }
0x1c: {  	p1 =	slt.u32 s9, $0xF7A;
	s5 =	simm.s32 @!p2 $0x0  }
0x1d: {  	s5 =	simm.s32 @p1 $0x1;
	p0 =	seq.s32 s7, s2  }
0x1e: {  	s7 =	smul.u32 @!p0 $0xF7A, s2;
	p2 =	seq.s32 @!p0 s5, $0x0  }
0x1f: {  	s9 =	smul.u32 $0xF7A, s1;
	s8 =	simm.s32 @!p0 $0x1BF5;
	p2 =	por !p2, p0  }
0x20: {  	[sflag:s8] =	ssyncset.s32 @!p0 $0xFFFFF086;
	s6 =	sadd.s32 @!p0 s3, s7;
	s7 =	simm.s32 @!p0 $0x108  }
0x21: {  	s3 =	sadd.s32 s3, s9;
	s6 =	sadd.s32 @!p0 $0x88, s6;
	s7 =	simm.s32 @p2 $0x1082  }
0x22: {  	[simem:s7], [sflag:s8] =	dma.local @!p0 [hbm:s6], $0xF7A  }
0x23: {  	s9 =	sor.u32 $0xD0000000, s2;
	s6 =	simm.s32 $0x108;
	_ =	swait.ge @!p0 [sflag:s8], $0x0  }
0x24: {  	s3 =	sadd.s32 $0x88, s3;
	s6 =	simm.s32 @!p1 $0x1082;
	[sflag:s4] =	ssyncset.s32 $0xFFFFF086  }
0x25: {  	[simem:s6], [sflag:s4] =	dma.local [hbm:s3], $0xF7A  }
0x26: {  	[smem:$0x3F9D] =	sst s1;
	(tag) =	ssettag s2;
	_ =	strace s9  }
0x27: {  	s1 =	sld [smem:$0x3FAD]  }
0x28: {  	s2 =	sld [smem:$0x3FAE]  }
0x29: {  	s4 =	sld [smem:$0x3FB0]  }
0x2a: {  	p0 =	seq.s32 s5, $0x0;
	s5 =	sld [smem:$0x3FB1]  }
0x2b: {  	s6 =	sld [smem:$0x3FB2]  }
0x2c: {  	s7 =	sld [smem:$0x3FB3]  }
0x2d: {  	s3 =	simm.s32 $0x108;
	s8 =	sld [smem:$0x3FB4]  }
0x2e: {  	s3 =	simm.s32 @!p0 $0x1082;
	s9 =	sld [smem:$0x3FB5]  }
0x2f: {  	lr =	sadd.s32 s0, s3;
	s0 =	sld [smem:$0x3FAC]  }
0x30: {  	s3 =	sld [smem:$0x3FAF]  }
0x31: {  	[smem:$0x3FB8] =	sst s10  }
0x32: {  	s10 =	sld [smem:$0x3FB6];
	_ =	sdelay $0x3  }
0x33: {  	p0 =	seq.s32 s10, $0x1;
	s10 =	sld [smem:$0x3FB8];
	_ =	sdelay $0x3  }
0x34: {  	[smem:$0x3FB8] =	sst s10  }
0x35: {  	s10 =	sld [smem:$0x3FB7];
	_ =	sdelay $0x3  }
0x36: {  	p1 =	seq.s32 s10, $0x1;
	s10 =	sld [smem:$0x3FB8];
	_ =	sdelay $0x3  }
0x37: {  	[smem:$0x3FB8] =	sst s10  }
0x38: {  	s10 =	sld [smem:$0x3FB9]  }
0x39: {  	_ = 	snop;
	(pc) =	sbr.ind lr, $3  }
0x3a: {  	_ = 	snop  }
0x3b: {  	_ = 	snop  }
0x3c: {  	p2 =	seq.s32 s10, $0x1;
	s10 =	sld [smem:$0x3FB8]  }
0x3d: {  	_ =	shalt  }
0x3e: {  	_ =	shalt  }
0x3f: {  	_ =	shalt  }
0x40: {  	_ =	shalt  }
0x41: {  	_ =	shalt  }
0x42: {  	_ =	shalt  }
0x43: {  	_ =	shalt  }
0x44: {  	_ =	shalt  }
0x45: {  	_ =	shalt  }
0x46: {  	_ =	shalt  }
0x47: {  	_ =	shalt  }
0x48: {  	_ =	shalt  }
0x49: {  	_ =	shalt  }
0x4a: {  	_ =	shalt  }
0x4b: {  	_ =	shalt  }
0x4c: {  	_ =	shalt  }
0x4d: {  	_ =	shalt  }
0x4e: {  	_ =	shalt  }
0x4f: {  	_ =	shalt  }
0x50: {  	_ =	shalt  }
0x51: {  	_ =	shalt  }
0x52: {  	_ =	shalt  }
0x53: {  	_ =	shalt  }
0x54: {  	_ =	shalt  }
0x55: {  	_ =	shalt  }
0x56: {  	_ =	shalt  }
0x57: {  	_ =	shalt  }
0x58: {  	_ =	shalt  }
0x59: {  	_ =	shalt  }
0x5a: {  	_ =	shalt  }
0x5b: {  	_ =	shalt  }
0x5c: {  	_ =	shalt  }
0x5d: {  	_ =	shalt  }
0x5e: {  	_ =	shalt  }
0x5f: {  	_ =	shalt  }
0x60: {  	_ =	shalt  }
0x61: {  	_ =	shalt  }
0x62: {  	_ =	shalt  }
0x63: {  	_ =	shalt  }
0x64: {  	_ =	shalt  }
0x65: {  	_ =	shalt  }
0x66: {  	_ =	shalt  }
0x67: {  	_ =	shalt  }
0x68: {  	_ =	shalt  }
0x69: {  	_ =	shalt  }
0x6a: {  	_ =	shalt  }
0x6b: {  	_ =	shalt  }
0x6c: {  	_ =	shalt  }
0x6d: {  	_ =	shalt  }
0x6e: {  	_ =	shalt  }
0x6f: {  	_ =	shalt  }
0x70: {  	_ =	shalt  }
0x71: {  	_ =	shalt  }
0x72: {  	_ =	shalt  }
0x73: {  	_ =	shalt  }
0x74: {  	_ =	shalt  }
0x75: {  	_ =	shalt  }
0x76: {  	_ =	shalt  }
0x77: {  	_ =	shalt  }
0x78: {  	_ =	shalt  }
0x79: {  	_ =	shalt  }
0x7a: {  	_ =	shalt  }
0x7b: {  	_ =	shalt  }
0x7c: {  	_ =	shalt  }
0x7d: {  	_ =	shalt  }
0x7e: {  	_ =	shalt  }
0x7f: {  	_ =	shalt  }
0x80: {  	_ =	shalt  }
0x81: {  	_ =	shalt  }
0x82: {  	_ =	shalt  }
0x83: {  	_ =	shalt  }
0x84: {  	_ =	shalt  }
0x85: {  	_ =	shalt  }
0x86: {  	_ =	shalt  }
0x87: {  	_ =	shalt  }
.Lfunc_end0:
.L_simem_size_0:
called_computation_lowered:
.L_overlay_start_0:
0x88: {  	s2 =	sld [smem:$0x3FD9]  }
0x89: {  	s3 =	sld [smem:$0x3FFE];
	_ =	sdelay $0x1  }
0x8a: {  	s1 =	srdreg.scid  }
0x8b: {  	s0 =	sand.u32 $0x1, s1  }
0x8c: {  	s17 =	sshll.u32 s0, $0xA;
	s2 =	sadd.s32 s3, s2  }
0x8d: {  	s2 =	sadd.s32 s2, s17  }
0x8e: {  	[smem:$0x3FC4] =	sst s2  }
0x8f: {  	_ = 	snop  }
0x90: {  	s2 =	sld [smem:$0x3FD0];
	(tm) =	ssettm $0x1  }
0x91: {  	s18 =	sld [smem:$0x3FFB];
	_ =	sdelay $0x3  }
0x92: {  	_ =	strace s18  }
0x93: {  	s3 =	sld [smem:$0x3FFC];
	_ =	sdelay $0x3  }
0x94: {  	_ =	strace s3  }
0x95: {  	s3 =	sld [smem:$0x3FFD];
	_ =	sdelay $0x3  }
0x96: {  	_ =	strace s3  }
0x97: {  	_ =	strace $0x8FFFFFFF  }
0x98: {  	s19 =	sld [smem:$0x3FDB];
	_ =	sdelay $0x1  }
0x99: {  	s4 =	simm.s32 $_scs_section_size  }
0x9a: {  	s5 =	simm.s32 $_size__tile_overlayer_lowered;
	s6 =	simm.s32 $_tile_overlayer_lowered  }
0x9b: {  	s22 =	simm.s32 $0x1BFF;
	s21 =	sshll.u32 s6, $0x1;
	s3 =	sadd.s32 s4, s19  }
0x9c: {  	s7 =	simm.s32 $0x0;
	s20 =	sshll.u32 s5, $0x1;
	s5 =	sadd.s32 s21, s3  }
0x9d: {  	[timem:s7], [sflag:s22] =	dma.local [hbm:s5], s20  }
0x9e: {  	_ =	swait.ge [sflag:s22], s20  }
0x9f: {  	s4 =	ssub.s32 $0x0, s20;
	[sflag:s22] =	ssyncset.done $0x0  }
0xa0: {  	[sflag:s22] =	ssyncadd.s32 s4;
	_ =	sdelay $0x1  }
0xa1: {  	s23 =	simm.s32 $0x1B8B  }
0xa2: {  	_ =	swait.ge [sflag:s23], $0x1  }
0xa3: {  	[sflag:s23] =	ssyncset.done $0x0  }
0xa4: {  	s25 =	simm.s32 $0x1B8E;
	s24 =	sld [smem:$0x3FFE];
	[sflag:s23] =	ssyncadd.s32 $0xFFFFFFFF  }
0xa5: {  	s26 =	simm.s32 $execute0_lowered;
	[smem:$0x3FD2] =	sst s25  }
0xa6: {  	s5 =	sshll.u32 s26, $0x1;
	_ =	strace $0x80000046;
	[dreg:$0x1] =	wrdreg $0xFFFFFFFF  }
0xa7: {  	s28 =	simm.s32 $_size_execute0_lowered;
	s3 =	sadd.s32 s3, s5;
	[dreg:$0x0] =	wrdreg $0x0  }
0xa8: {  	s5 =	sshll.u32 s28, $0x1;
	[dreg:$0x2] =	wrdreg s3  }
0xa9: {  	[dreg:$0x3] =	wrdreg s5  }
0xaa: {  	[dreg:$0x4] =	wrdreg $0xC0  }
0xab: {  	_ =	task [dreg:s7], $0x5FFFF  }
0xac: {  	[dreg:$0x1] =	wrdreg $0xFFFFFFFF  }
0xad: {  	[dreg:$0x0] =	wrdreg $0x60  }
0xae: {  	[dreg:$0x2] =	wrdreg s24  }
0xaf: {  	[dreg:$0x3] =	wrdreg s2  }
0xb0: {  	[dreg:$0x4] =	wrdreg $0x9  }
0xb1: {  	_ =	task.clear_ibuf [dreg:s7], $0x5FFFF;
	_ =	strace $0x90000046  }
0xb2: {  	s29 =	simm.s32 $0x9;
	_ =	strace $0x80000048  }
0xb3: {  	_ =	swait.ge [sflag:s29], $0x1  }
0xb4: {  	[sflag:s29] =	ssyncadd.s32 $0xFFFFFFFF  }
0xb5: {  	_ =	strace $0x90000048  }
0xb6: {  	_ =	sfence  }
0xb7: {  	s30 =	sld [smem:$0x0];
	_ =	sdelay $0x2  }
0xb8: {  	s31 =	sshll.u32 s1, $0xD;
	s1 =	sshrl.u32 s1, $0x2  }
0xb9: {  	s3 =	sand.u32 $0x4000, s31;
	s1 =	sadd.s32 s1, s30  }
0xba: {  	s0 =	sor.u32 s3, s0;
	s1 =	sshll.u32 s1, $0x11  }
0xbb: {  	s0 =	sor.u32 s1, s0  }
0xbc: {  	s0 =	sadd.s32 $0x8F2B, s0  }
0xbd: {  	[sflag:s0] =	ssyncadd.remote.s32 $0x1  }
0xbe: {  	_ =	sfence.sel $0xFFFF  }
0xbf: {  	[dreg:$0x0] =	wrdreg $0xFFFFFFFF;
	(pc) =	sbr.abs _section_cstart, $3  }
0xc0: {  	[dreg:$0x1] =	wrdreg $0xFFFFFFFF  }
0xc1: {  	_ =	task.clear_ibuf [dreg:s7], $0x2FFFF;
	_ =	strace $0x9FFFFFFF  }
0xc2: {  	(tm) =	ssettm $0x7FFFFFFF  }
0xc3: {  	_ =	shalt  }
tec
execute0_lowered:
.L_overlay_start_1:
0x0: {  	(tag) =	ssettag $0x1  }
0x1: {  	s1 =	srdreg.scid  }
0x2: {  	s0 =	stileid.u32;
	s3 =	rddreg [dreg:$0x0]  }
0x3: {  	s5 =	rddreg [dreg:$0x1];
	s2 =	simm.s32 $0x0;
	s9 =	simm.s32 $0x1  }
0x4: {  	s10 =	simm.s32 $0xC800;
	s11 =	simm.s32 $0x0;
	s14 =	simm.s32 $0x0  }
0x5: {  	s4 =	sand.u32 $0x1, s1;
	s31 =	sshll.u32 s0, $0x1;
	s1 =	rddreg [dreg:$0x2]  }
0x6: {  	[smem:$0x7FF] =	sst s2;
	s6 =	sor.u32 s4, s31;
	s4 =	ssub.s32 $0x2, s4  }
0x7: {  	s7 =	smul.u32 $0xC80, s6;
	s8 =	sshrl.u32 s4, $0x1;
	s6 =	sshll.u32 s6, $0x4  }
0x8: {  	_ =	strace $0x80000047;
	s8 =	ssub.s32 s4, s8;
	s5 =	sadd.s32 s5, s6  }
0x9: {  	s7 =	sadd.s32 s7, s3;
	s3 =	sadd.s32 $0x800, s3;
	s6 =	smax.u32 s8, $0x1  }
0xa: {  	s8 =	simm.s32 $0x6400;
	s4 =	sadd.s32 $0x20800, s7;
	s7 =	simm.s32 $0x2  }
.LBB2_1:
0xb: {  	[tilespmem:s2], [sflag:$0x2] =	stream.linear.gather [hbm4b:s4+s2], $0x6400, $0x38;
	[tilespmem:$0xC880] =	vst v63  }
0xc: {  	_ =	swait.ge [sflag:s7], $0x6400  }
0xd: {  	[sflag:s7] =	ssyncset.done $0x0  }
0xe: {  	[sflag:s7] =	ssyncadd.s32 $0xFFFF9C00  }
0xf: {  	[tilespmem:s8], [sflag:$0x1] =	stream.indirect.gather [hbm4b:s3+s8], $0x1, s2, s8, $0xb8;
	[tilespmem:$0xC880] =	vst v63  }
0x10: {  	_ =	swait.ge [sflag:s9], $0x6400  }
0x11: {  	[sflag:s9] =	ssyncset.done $0x0  }
0x12: {  	[sflag:s9] =	ssyncadd.s32 $0xFFFF9C00  }
0x13: {  	v0 =	vld [tilespmem:s14+$0x6470]  }
0x14: {  	v1 =	vld [tilespmem:s14+$0x6400]  }
0x15: {  	v2 =	vld [tilespmem:s14+$0x6410]  }
0x16: {  	v10 =	vld [tilespmem:s14+$0x6420]  }
0x17: {  	v8 =	vld [tilespmem:s14+$0x6430]  }
0x18: {  	v9 =	vimm.f32 $0.0e+00;
	v7 =	vimm.f32 $0.0e+00;
	v5 =	vld [tilespmem:s14+$0x6440]  }
0x19: {  	v6 =	vimm.f32 $0.0e+00;
	v3 =	vimm.f32 $0.0e+00;
	v4 =	vld [tilespmem:s14+$0x6450];
	v0 =	vadd.f32 v0, v9  }
0x1a: {  	s12 =	simm.s32 $0x80;
	s13 =	simm.s32 $0x400;
	v12 =	vadd.f32 v1, v9;
	v11 =	vadd.f32 v2, v9;
	v2 =	vld [tilespmem:s14+$0x6460];
	v1 =	vimm.f32 $0.0e+00  }
.LBB2_2:
0x1b: {  	p0 =	sne.s32 s13, $0x18E00;
	v13 =	vld [tilespmem:s12+$0x6470];
	v9 =	vadd.f32 v10, v9  }
0x1c: {  	v14 =	vld [tilespmem:s12+$0x6400];
	v7 =	vadd.f32 v8, v7  }
0x1d: {  	v15 =	vld [tilespmem:s12+$0x6410];
	v6 =	vadd.f32 v5, v6  }
.Ltmp0:
0x1e: {  	v10 =	vld [tilespmem:s12+$0x6420];
	v3 =	vadd.f32 v4, v3;
	(pc) =	sbr.rel @p0 .LBB2_2-.Ltmp0, $4  }
0x1f: {  	v8 =	vld [tilespmem:s12+$0x6430];
	v1 =	vadd.f32 v2, v1  }
0x20: {  	v5 =	vld [tilespmem:s12+$0x6440];
	v0 =	vadd.f32 v13, v0  }
0x21: {  	v12 =	vadd.f32 v14, v12;
	v4 =	vld [tilespmem:s12+$0x6450]  }
0x22: {  	v11 =	vadd.f32 v15, v11;
	v2 =	vld [tilespmem:s12+$0x6460];
	s12 =	sshra.s32 s13, $0x2;
	s13 =	sadd.s32 $0x200, s13  }
0x23: {  	v13 =	vld [tilespmem:s12+$0x6400];
	_ =	sdelay $0x4  }
0x24: {  	v12 =	vadd.f32 v13, v12;
	_ =	sdelay $0x1  }
0x25: {  	v12 =	vmul.f32 $4.999999890e-03, v12;
	_ =	sdelay $0x1  }
0x26: {  	v12 =	vsub.f32 $0.0e+00, v12;
	_ =	sdelay $0x1  }
0x27: {  	v12 =	vmul.f32 $1.442695020e+00, v12;
	_ =	sdelay $0x1  }
0x28: {  	v47 =	vld [tilespmem:s12+$0x6410];
	(erf) = vpow2.f32 v12;
	_ =	sdelay $0x4  }
0x29: {  	v11 =	vadd.f32 v47, v11;
	_ =	sdelay $0x1  }
0x2a: {  	v11 =	vmul.f32 $4.999999890e-03, v11;
	_ =	sdelay $0x1  }
0x2b: {  	v11 =	vsub.f32 $0.0e+00, v11;
	v12 =	vpop (erf)  }
0x2c: {  	v12 =	vadd.f32 $1.000000000e+00, v12  }
0x2d: {  	v11 =	vmul.f32 $1.442695020e+00, v11  }
0x2e: {  	(erf) = vrcp.f32 v12  }
0x2f: {  	v48 =	vld [tilespmem:s12+$0x6420];
	(erf) = vpow2.f32 v11;
	_ =	sdelay $0x2  }
0x30: {  	v9 =	vadd.f32 v10, v9;
	_ =	sdelay $0x1  }
0x31: {  	v9 =	vadd.f32 v48, v9;
	_ =	sdelay $0x1  }
0x32: {  	v9 =	vmul.f32 $4.999999890e-03, v9  }
0x33: {  	v49 =	vpop (erf)  }
0x34: {  	v9 =	vsub.f32 $0.0e+00, v9;
	v11 =	vpop (erf)  }
0x35: {  	v11 =	vadd.f32 $1.000000000e+00, v11  }
0x36: {  	v9 =	vmul.f32 $1.442695020e+00, v9  }
0x37: {  	(erf) = vrcp.f32 v11  }
0x38: {  	v50 =	vld [tilespmem:s12+$0x6430];
	(erf) = vpow2.f32 v9;
	_ =	sdelay $0x2  }
0x39: {  	v7 =	vadd.f32 v8, v7;
	_ =	sdelay $0x1  }
0x3a: {  	v7 =	vadd.f32 v50, v7;
	_ =	sdelay $0x1  }
0x3b: {  	v7 =	vmul.f32 $4.999999890e-03, v7  }
0x3c: {  	v51 =	vpop (erf)  }
0x3d: {  	v7 =	vsub.f32 $0.0e+00, v7;
	v9 =	vpop (erf)  }
0x3e: {  	v9 =	vadd.f32 $1.000000000e+00, v9  }
0x3f: {  	v7 =	vmul.f32 $1.442695020e+00, v7  }
0x40: {  	(erf) = vrcp.f32 v9  }
0x41: {  	v52 =	vld [tilespmem:s12+$0x6440];
	(erf) = vpow2.f32 v7;
	_ =	sdelay $0x2  }
0x42: {  	v5 =	vadd.f32 v5, v6;
	_ =	sdelay $0x1  }
0x43: {  	v5 =	vadd.f32 v52, v5;
	_ =	sdelay $0x1  }
0x44: {  	v5 =	vmul.f32 $4.999999890e-03, v5  }
0x45: {  	v53 =	vpop (erf)  }
0x46: {  	v5 =	vsub.f32 $0.0e+00, v5;
	v7 =	vpop (erf)  }
0x47: {  	v7 =	vadd.f32 $1.000000000e+00, v7  }
0x48: {  	v5 =	vmul.f32 $1.442695020e+00, v5  }
0x49: {  	(erf) = vrcp.f32 v7  }
0x4a: {  	v54 =	vld [tilespmem:s12+$0x6450];
	(erf) = vpow2.f32 v5;
	_ =	sdelay $0x2  }
0x4b: {  	v3 =	vadd.f32 v4, v3;
	_ =	sdelay $0x1  }
0x4c: {  	v3 =	vadd.f32 v54, v3;
	_ =	sdelay $0x1  }
0x4d: {  	v3 =	vmul.f32 $4.999999890e-03, v3  }
0x4e: {  	v55 =	vpop (erf)  }
0x4f: {  	v3 =	vsub.f32 $0.0e+00, v3;
	v5 =	vpop (erf)  }
0x50: {  	v5 =	vadd.f32 $1.000000000e+00, v5  }
0x51: {  	v3 =	vmul.f32 $1.442695020e+00, v3  }
0x52: {  	(erf) = vrcp.f32 v5  }
0x53: {  	v56 =	vld [tilespmem:s12+$0x6460];
	(erf) = vpow2.f32 v3;
	_ =	sdelay $0x2  }
0x54: {  	v1 =	vadd.f32 v2, v1;
	_ =	sdelay $0x1  }
0x55: {  	v1 =	vadd.f32 v56, v1;
	_ =	sdelay $0x1  }
0x56: {  	v1 =	vmul.f32 $4.999999890e-03, v1  }
0x57: {  	v57 =	vpop (erf)  }
0x58: {  	v1 =	vsub.f32 $0.0e+00, v1;
	v3 =	vpop (erf)  }
0x59: {  	v3 =	vadd.f32 $1.000000000e+00, v3  }
0x5a: {  	v1 =	vmul.f32 $1.442695020e+00, v1  }
0x5b: {  	(erf) = vrcp.f32 v3  }
0x5c: {  	v58 =	vld [tilespmem:s12+$0x6470];
	(erf) = vpow2.f32 v1;
	_ =	sdelay $0x4  }
0x5d: {  	v0 =	vadd.f32 v58, v0;
	_ =	sdelay $0x1  }
0x5e: {  	v0 =	vmul.f32 $4.999999890e-03, v0  }
0x5f: {  	v59 =	vpop (erf)  }
0x60: {  	v0 =	vsub.f32 $0.0e+00, v0;
	v60 =	vpop (erf)  }
0x61: {  	v3 =	vadd.f32 $1.000000000e+00, v60  }
0x62: {  	v0 =	vmul.f32 $1.442695020e+00, v0  }
0x63: {  	(erf) = vrcp.f32 v3  }
0x64: {  	(erf) = vpow2.f32 v0;
	_ =	sdelay $0x7  }
0x65: {  	v61 =	vpop (erf)  }
0x66: {  	v62 =	vpop (erf)  }
0x67: {  	v3 =	vadd.f32 $1.000000000e+00, v62;
	_ =	sdelay $0x1  }
0x68: {  	(erf) = vrcp.f32 v3;
	_ =	sdelay $0x2  }
0x69: {  	[tilespmem:$0xC800] =	vst v49  }
0x6a: {  	[tilespmem:$0xC810] =	vst v51  }
0x6b: {  	[tilespmem:$0xC820] =	vst v53  }
0x6c: {  	[tilespmem:$0xC830] =	vst v55  }
0x6d: {  	[tilespmem:$0xC840] =	vst v57  }
0x6e: {  	s11 =	sadd.s32 $0x1, s11;
	[tilespmem:$0xC850] =	vst v59  }
0x6f: {  	p0 =	sne.s32 s11, s6;
	[tilespmem:$0xC860] =	vst v61;
	v63 =	vpop (erf)  }
.Ltmp1:
0x70: {  	[tilespmem:$0xC870] =	vst v63;
	(pc) =	sbr.rel @p0 .LBB2_1-.Ltmp1, $4  }
0x71: {  	[hbm4b:s5+s2] =	stream.linear.scatter [tilespmem:s10], [sflag:$0x2], $0x80, $0x38;
	[tilespmem:$0xC880] =	vst v63  }
0x72: {  	_ =	swait.ge [sflag:s7], $0x80  }
0x73: {  	[sflag:s7] =	ssyncset.done $0x0  }
0x74: {  	[sflag:s7] =	ssyncadd.s32 $0xFFFFFF80  }
0x75: {  	_ =	sfence.sel $0x180000  }
0x76: {  	[bflag:$0x0] =	sbarrier.arrive $0xFFFF  }
0x77: {  	p0 =	sne.s32 s0, $0x0;
	_ =	strace $0x90000047  }
0x78: {  	s0 =	sadd.s32 @!p0 $0x100000, s1;
	[bflag:$0x2] =	sbarrier.arrive $0xFFFF  }
0x79: {  	[sflag:s0] =	ssyncadd.tile.s32 @!p0 $0x1;
	_ =	shalt  }
.Lfunc_end2:
_tile_overlayer_lowered:
.L_overlay_start_2:
0x7a: {  	(tag) =	ssettag $0x2  }
0x7b: {  	s0 =	rddreg [dreg:$0x0];
	s2 =	stileid.u32  }
0x7c: {  	s1 =	rddreg [dreg:$0x1];
	p0 =	sne.s32 s2, $0x0  }
0x7d: {  	s3 =	rddreg [dreg:$0x2];
	[bflag:$0x3] =	sbarrier.arrive $0xFFFF;
	s2 =	simm.s32 @!p0 $0x1C02  }
0x7e: {  	[timem:s3], [sflag:s2] =	dma.local @!p0 [hbm:s0], s1  }
0x7f: {  	s0 =	simm.s32 @!p0 $0x2  }
0x80: {  	_ =	swait.ge @!p0 [sflag:s0], s1  }
0x81: {  	s1 =	ssub.s32 @!p0 $0x0, s1;
	[sflag:s0] =	ssyncset.done @!p0 $0x0  }
0x82: {  	[sflag:s0] =	ssyncadd.s32 @!p0 s1  }
0x83: {  	[bflag:$0x3] =	sbarrier.arrive $0xFFFF  }
0x84: {  	_ =	shalt  }

</sc_bundles>
